<compile_context>
chip_gen: v7x
topology: tpu7x:2x2x1
jax: 0.10.2.dev20260603
libtpu: 0.0.44.dev20260713+nightly
codegen_flags: <defaults>
</compile_context>

<pallas_src>
import functools

import jax
import jax.numpy as jnp
import numpy as np
from jax import lax
from jax.experimental import pallas as pl
from jax.experimental.pallas import tpu as pltpu
from jax.experimental.pallas import tpu_sc as plsc

_B = 8
_NQ = 256
_NK = 1024
_L = 32
_D = 512
_H = 8
_FF = 2048
_HD = _D // _H
_N = _B * _NQ

_NC = 2
_NS = 16
_NW = _NC * _NS
_QPW = _N // _NW
_LANES = 16


def _sc_count_body(idx_hbm, m_hbm, idx_v, m_v):
    wid = lax.axis_index("s") * _NC + lax.axis_index("c")
    qbase = wid * _QPW
    pltpu.sync_copy(idx_hbm.at[pl.ds(qbase * _L, _QPW * _L)], idx_v)

    zeros = jnp.zeros((_LANES,), jnp.float32)
    unroll = 8

    def zero_body(i, carry):
        for j in range(unroll):
            m_v[pl.ds((i * unroll + j) * _LANES, _LANES)] = zeros
        return carry

    lax.fori_loop(0, (_QPW * _NK) // (_LANES * unroll), zero_body, 0)

    ones = jnp.ones((_LANES,), jnp.float32)

    def q_body(qi, carry):
        for g in range(_L // _LANES):
            iv = idx_v[pl.ds(qi * _L + g * _LANES, _LANES)]
            plsc.addupdate_scatter(m_v, [qi * _NK + iv], ones)
        return carry

    lax.fori_loop(0, _QPW, q_body, 0)

    pltpu.sync_copy(m_v, m_hbm.at[pl.ds(qbase * _NK, _QPW * _NK)])


@jax.jit
def _sc_count(idx_flat):
    mesh = plsc.VectorSubcoreMesh(core_axis_name="c", subcore_axis_name="s")
    f = functools.partial(
        pl.kernel,
        mesh=mesh,
        out_type=jax.ShapeDtypeStruct((_N * _NK,), jnp.float32),
        scratch_types=[
            pltpu.VMEM((_QPW * _L,), jnp.int32),
            pltpu.VMEM((_QPW * _NK,), jnp.float32),
        ],
        compiler_params=pltpu.CompilerParams(needs_layout_passes=False),
    )(_sc_count_body)
    return f(idx_flat)


def _ln(x, g, b):
    mu = jnp.mean(x, axis=-1, keepdims=True)
    d = x - mu
    var = jnp.mean(d * d, axis=-1, keepdims=True)
    return d * jax.lax.rsqrt(var + 1e-5) * g + b


def _tc_body(tgt_r, mem_r, m_r, wq_r, bq_r, wkv_r, bkv_r,
             wo_r, bo_r, w1_r, b1_r, w2_r, b2_r, g1_r, be1_r, g2_r, be2_r,
             out_r):
    f32 = jnp.float32
    tgt = tgt_r[:]
    mem = mem_r[:]
    qs = jnp.dot(tgt, wq_r[:], preferred_element_type=f32) + bq_r[:]
    kv = jnp.dot(mem, wkv_r[:], preferred_element_type=f32) + bkv_r[:]
    k = kv[:, :_D]
    v = kv[:, _D:]
    mult = m_r[:]
    ones = jnp.ones((_NK, 8), f32)
    heads = []
    for h in range(_H):
        s = h * _HD
        sc = lax.dot_general(qs[:, s:s + _HD], k[:, s:s + _HD],
                             (((1,), (1,)), ((), ())),
                             preferred_element_type=f32)
        p = mult * jnp.exp(jnp.minimum(sc, f32(60.0)))
        ve = jnp.concatenate([v[:, s:s + _HD], ones], axis=1)
        o = jnp.dot(p, ve, preferred_element_type=f32)
        heads.append(o[:, :_HD] / o[:, _HD:_HD + 1])
    att = jnp.concatenate(heads, axis=1)
    att = jnp.dot(att, wo_r[:], preferred_element_type=f32) + bo_r[:]
    x = _ln(tgt + att, g1_r[:], be1_r[:])
    ff = jnp.maximum(jnp.dot(x, w1_r[:], preferred_element_type=f32)
                     + b1_r[:], 0.0)
    ff = jnp.dot(ff, w2_r[:], preferred_element_type=f32) + b2_r[:]
    out_r[:] = _ln(x + ff, g2_r[:], be2_r[:])


def _tc_layer(tgt, memory, m, wq, bq, wkv, bkv, wo, bo,
              w1, b1, w2, b2, g1, be1, g2, be2):
    full = lambda shape: pl.BlockSpec(shape, lambda b: (0, 0))
    specs = [
        pl.BlockSpec((_NQ, _D), lambda b: (b, 0)),
        pl.BlockSpec((_NK, _D), lambda b: (b, 0)),
        pl.BlockSpec((_NQ, _NK), lambda b: (b, 0)),
        full((_D, _D)), full((1, _D)),
        full((_D, 2 * _D)), full((1, 2 * _D)),
        full((_D, _D)), full((1, _D)),
        full((_D, _FF)), full((1, _FF)),
        full((_FF, _D)), full((1, _D)),
        full((1, _D)), full((1, _D)),
        full((1, _D)), full((1, _D)),
    ]
    return pl.pallas_call(
        _tc_body,
        grid=(_B,),
        in_specs=specs,
        out_specs=pl.BlockSpec((_NQ, _D), lambda b: (b, 0)),
        out_shape=jax.ShapeDtypeStruct((_N, _D), jnp.float32),
        compiler_params=pltpu.CompilerParams(
            dimension_semantics=("arbitrary",),
        ),
    )(tgt, memory, m, wq, bq, wkv, bkv, wo, bo,
      w1, b1, w2, b2, g1, be1, g2, be2)


def kernel(tgt, memory, index_pair, query_batch_cnt, key_batch_cnt,
           index_pair_batch, w_q, b_q, w_k, b_k, w_v, b_v, w_o, b_o,
           w1, b1, w2, b2, g1, be1, g2, be2):
    m = _sc_count(index_pair.reshape(-1)).reshape(_N, _NK)
    return m[:, :_D] + tgt * 0.0
    row = lambda x: x.reshape(1, -1)
    scale = np.float32(1.0 / np.sqrt(_HD))
    wkv = jnp.concatenate([w_k, w_v], axis=1)
    bkv = jnp.concatenate([b_k, b_v]).reshape(1, -1)
    return _tc_layer(tgt, memory, m,
                     w_q * scale, row(b_q) * scale, wkv, bkv,
                     w_o, row(b_o), w1, row(b1), w2, row(b2),
                     row(g1), row(be1), row(g2), row(be2))

# --- scband reference (transcript-rebuilt; emitter-appended) ---
"""Pipeline reference for scband-transformer-decoder-layer-45775761440802 (READ-ONLY COPY).

The authoritative reference and input builder live on the scoring server;
editing this copy changes nothing except your own understanding.
"""

import jax, jax.numpy as jnp
import numpy as np

B = 8; NQ = 256; NK = 1024; L = 32; D = 512; H = 8; FF = 2048


def _ln(x, g, b):
    m = jnp.mean(x, axis=-1, keepdims=True)
    v = jnp.var(x, axis=-1, keepdims=True)
    return (x - m) / jnp.sqrt(v + 1e-5) * g + b


def _forward(tgt, memory, index_pair, query_batch_cnt, key_batch_cnt, index_pair_batch,
             w_q, b_q, w_k, b_k, w_v, b_v, w_o, b_o, w1, b1, w2, b2, g1, be1, g2, be2):
    N, Dm = tgt.shape
    Lh = index_pair.shape[1]
    Hn = H
    HD = Dm // Hn
    # qkv projections
    q = tgt @ w_q + b_q
    k = memory @ w_k + b_k
    v = memory @ w_v + b_v
    # per-batch key start offsets (stacked/ragged batching)
    key_start = jnp.concatenate([jnp.zeros((1,), jnp.int32),
                                 jnp.cumsum(key_batch_cnt.astype(jnp.int32))[:-1]])
    offs = key_start[index_pair_batch]                      # [N]
    valid = index_pair >= 0                                 # [N, L]
    gidx = jnp.where(valid, index_pair, 0) + offs[:, None]  # global key indices
    kg = jnp.take(k, gidx, axis=0)                          # [N, L, D] sparse gather
    vg = jnp.take(v, gidx, axis=0)                          # [N, L, D]
    qh = q.reshape(N, Hn, HD)
    kh = kg.reshape(N, Lh, Hn, HD)
    vh = vg.reshape(N, Lh, Hn, HD)
    scores = jnp.einsum('nhd,nlhd->nhl', qh, kh) / np.sqrt(HD).astype(np.float32)
    scores = jnp.where(valid[:, None, :], scores, jnp.float32(-1e9))
    attn = jax.nn.softmax(scores, axis=-1)
    out = jnp.einsum('nhl,nlhd->nhd', attn, vh).reshape(N, Dm)
    attn_out = out @ w_o + b_o
    # residual + norm1 (dropout=0 in eval)
    x = _ln(tgt + attn_out, g1, be1)
    # FFN
    ff = jax.nn.relu(x @ w1 + b1) @ w2 + b2
    x = _ln(x + ff, g2, be2)
    return x


def setup_inputs(seed: int = 0) -> dict:
    key = jax.random.key(seed)
    ks = jax.random.split(key, 12)
    s = 0.02
    inp = {}
    inp['tgt'] = jax.random.normal(ks[0], (B * NQ, D), jnp.float32)
    inp['memory'] = jax.random.normal(ks[1], (B * NK, D), jnp.float32)
    inp['index_pair'] = jax.random.randint(ks[2], (B * NQ, L), 0, NK, dtype=jnp.int32)
    inp['query_batch_cnt'] = jnp.full((B,), NQ, jnp.int32)
    inp['key_batch_cnt'] = jnp.full((B,), NK, jnp.int32)
    inp['index_pair_batch'] = jnp.repeat(jnp.arange(B, dtype=jnp.int32), NQ)
    for i, n in enumerate(['w_q', 'w_k', 'w_v', 'w_o']):
        inp[n] = jax.random.normal(ks[3 + i], (D, D), jnp.float32) * s
    for n in ['b_q', 'b_k', 'b_v', 'b_o']:
        inp[n] = jnp.zeros((D,), jnp.float32)
    inp['w1'] = jax.random.normal(ks[7], (D, FF), jnp.float32) * s
    inp['b1'] = jnp.zeros((FF,), jnp.float32)
    inp['w2'] = jax.random.normal(ks[8], (FF, D), jnp.float32) * s
    inp['b2'] = jnp.zeros((D,), jnp.float32)
    inp['g1'] = jnp.ones((D,), jnp.float32)
    inp['be1'] = jnp.zeros((D,), jnp.float32)
    inp['g2'] = jnp.ones((D,), jnp.float32)
    inp['be2'] = jnp.zeros((D,), jnp.float32)
    return inp


def reference(tgt, memory, index_pair, query_batch_cnt, key_batch_cnt, index_pair_batch,
              w_q, b_q, w_k, b_k, w_v, b_v, w_o, b_o, w1, b1, w2, b2, g1, be1, g2, be2):
    return _forward(tgt, memory, index_pair, query_batch_cnt, key_batch_cnt, index_pair_batch,
                    w_q, b_q, w_k, b_k, w_v, b_v, w_o, b_o, w1, b1, w2, b2, g1, be1, g2, be2)

if __name__ == "__main__":
    import jax
    _d = setup_inputs()
    print(jax.jit(kernel)(*tuple(_d.values())))

</pallas_src>

<mosaic_0001>
#map = affine_map<(d0, d1) -> (0)>
module attributes {stable_mosaic.version = 14 : i64} {
  func.func @_sc_count_body(%arg0: i32, %arg1: i32, %arg2: memref<65536xi32, #tpu.memory_space<hbm>>, %arg3: memref<2097152xf32, #tpu.memory_space<hbm>>, %arg4: memref<2048xi32, #tpu.memory_space<vmem>>, %arg5: memref<65536xf32, #tpu.memory_space<vmem>>) attributes {dimension_semantics = [#tpu.dimension_semantics<core_parallel>, #tpu.dimension_semantics<subcore_parallel>], iteration_bounds = array<i64: 2, 16>, scalar_prefetch = 0 : i64, scratch_operands = 2 : i64, tpu.core_type = #tpu.core_type<sc_vector_subcore>, window_params = [{transform_indices = #map}, {transform_indices = #map}]} {
    %mul3A = arith.constant 2 : i32
    %mul3A_0 = arith.muli %arg1, %mul3A : i32
    %add3A = arith.addi %mul3A_0, %arg0 : i32
    %mul3A_1 = arith.constant 64 : i32
    %mul3A_2 = arith.muli %add3A, %mul3A_1 : i32
    %mul3A_3 = arith.constant 32 : i32
    %mul3A_4 = arith.muli %mul3A_2, %mul3A_3 : i32
    "tpu.region"() ({
      %run_scoped3A = tpu.sem_alloc : memref<!tpu.dma_semaphore, #tpu.memory_space<semaphore_mem>>
      %dma_start3A = tpu.memref_slice %arg2[%mul3A_4] : memref<65536xi32, #tpu.memory_space<hbm>> -> memref<2048xi32, #tpu.memory_space<hbm>>
      %dma_start3A_21 = tpu.memref_slice %arg2[%mul3A_4] : memref<65536xi32, #tpu.memory_space<hbm>> -> memref<2048xi32, #tpu.memory_space<hbm>>
      tpu.enqueue_dma source(%dma_start3A_21 : memref<2048xi32, #tpu.memory_space<hbm>>) target(%arg4 : memref<2048xi32, #tpu.memory_space<vmem>>) target_semaphore(%run_scoped3A : memref<!tpu.dma_semaphore, #tpu.memory_space<semaphore_mem>>)
      %dma_wait3A = tpu.memref_slice %arg2[%mul3A_4] : memref<65536xi32, #tpu.memory_space<hbm>> -> memref<2048xi32, #tpu.memory_space<hbm>>
      %dma_wait3A_22 = tpu.memref_slice %arg2[%mul3A_4] : memref<65536xi32, #tpu.memory_space<hbm>> -> memref<2048xi32, #tpu.memory_space<hbm>>
      tpu.wait_dma2 semaphore(%run_scoped3A : memref<!tpu.dma_semaphore, #tpu.memory_space<semaphore_mem>>) src(%dma_wait3A_22 : memref<2048xi32, #tpu.memory_space<hbm>>) dst(%arg4 : memref<2048xi32, #tpu.memory_space<vmem>>)
      tpu.yield
    }) : () -> ()
    %broadcast_in_dim3A = arith.constant 0.000000e+00 : f32
    %broadcast_in_dim3A_5 = vector.broadcast %broadcast_in_dim3A : f32 to vector<16xf32>
    %scan3A = arith.constant 0 : i32
    %scan3A_6 = arith.constant 0 : i32
    %scan3A_7 = arith.constant 512 : i32
    %scan3A_8 = arith.addi %scan3A_6, %scan3A_7 : i32
    %scan3A_9 = arith.constant 1 : i32
    scf.for %scan3A_21 = %scan3A_6 to %scan3A_8 step %scan3A_9  : i32 {
      %mul3A_22 = arith.constant 8 : i32
      %mul3A_23 = arith.muli %scan3A_21, %mul3A_22 : i32
      %add3A_24 = arith.constant 0 : i32
      %add3A_25 = arith.addi %mul3A_23, %add3A_24 : i32
      %mul3A_26 = arith.constant 16 : i32
      %mul3A_27 = arith.muli %add3A_25, %mul3A_26 : i32
      %swap3A = arith.index_cast %mul3A_27 : i32 to index
      %swap3A_28 = tpu.vector_load %arg5[%swap3A] {strides = array<i32>} : memref<65536xf32, #tpu.memory_space<vmem>>, vector<16xf32>,
      tpu.vector_store %arg5[%swap3A], %broadcast_in_dim3A_5 {strides = array<i32>} : memref<65536xf32, #tpu.memory_space<vmem>>, vector<16xf32>,
      %mul3A_29 = arith.constant 8 : i32
      %mul3A_30 = arith.muli %scan3A_21, %mul3A_29 : i32
      %add3A_31 = arith.constant 1 : i32
      %add3A_32 = arith.addi %mul3A_30, %add3A_31 : i32
      %mul3A_33 = arith.constant 16 : i32
      %mul3A_34 = arith.muli %add3A_32, %mul3A_33 : i32
      %swap3A_35 = arith.index_cast %mul3A_34 : i32 to index
      %swap3A_36 = tpu.vector_load %arg5[%swap3A_35] {strides = array<i32>} : memref<65536xf32, #tpu.memory_space<vmem>>, vector<16xf32>,
      tpu.vector_store %arg5[%swap3A_35], %broadcast_in_dim3A_5 {strides = array<i32>} : memref<65536xf32, #tpu.memory_space<vmem>>, vector<16xf32>,
      %mul3A_37 = arith.constant 8 : i32
      %mul3A_38 = arith.muli %scan3A_21, %mul3A_37 : i32
      %add3A_39 = arith.constant 2 : i32
      %add3A_40 = arith.addi %mul3A_38, %add3A_39 : i32
      %mul3A_41 = arith.constant 16 : i32
      %mul3A_42 = arith.muli %add3A_40, %mul3A_41 : i32
      %swap3A_43 = arith.index_cast %mul3A_42 : i32 to index
      %swap3A_44 = tpu.vector_load %arg5[%swap3A_43] {strides = array<i32>} : memref<65536xf32, #tpu.memory_space<vmem>>, vector<16xf32>,
      tpu.vector_store %arg5[%swap3A_43], %broadcast_in_dim3A_5 {strides = array<i32>} : memref<65536xf32, #tpu.memory_space<vmem>>, vector<16xf32>,
      %mul3A_45 = arith.constant 8 : i32
      %mul3A_46 = arith.muli %scan3A_21, %mul3A_45 : i32
      %add3A_47 = arith.constant 3 : i32
      %add3A_48 = arith.addi %mul3A_46, %add3A_47 : i32
      %mul3A_49 = arith.constant 16 : i32
      %mul3A_50 = arith.muli %add3A_48, %mul3A_49 : i32
      %swap3A_51 = arith.index_cast %mul3A_50 : i32 to index
      %swap3A_52 = tpu.vector_load %arg5[%swap3A_51] {strides = array<i32>} : memref<65536xf32, #tpu.memory_space<vmem>>, vector<16xf32>,
      tpu.vector_store %arg5[%swap3A_51], %broadcast_in_dim3A_5 {strides = array<i32>} : memref<65536xf32, #tpu.memory_space<vmem>>, vector<16xf32>,
      %mul3A_53 = arith.constant 8 : i32
      %mul3A_54 = arith.muli %scan3A_21, %mul3A_53 : i32
      %add3A_55 = arith.constant 4 : i32
      %add3A_56 = arith.addi %mul3A_54, %add3A_55 : i32
      %mul3A_57 = arith.constant 16 : i32
      %mul3A_58 = arith.muli %add3A_56, %mul3A_57 : i32
      %swap3A_59 = arith.index_cast %mul3A_58 : i32 to index
      %swap3A_60 = tpu.vector_load %arg5[%swap3A_59] {strides = array<i32>} : memref<65536xf32, #tpu.memory_space<vmem>>, vector<16xf32>,
      tpu.vector_store %arg5[%swap3A_59], %broadcast_in_dim3A_5 {strides = array<i32>} : memref<65536xf32, #tpu.memory_space<vmem>>, vector<16xf32>,
      %mul3A_61 = arith.constant 8 : i32
      %mul3A_62 = arith.muli %scan3A_21, %mul3A_61 : i32
      %add3A_63 = arith.constant 5 : i32
      %add3A_64 = arith.addi %mul3A_62, %add3A_63 : i32
      %mul3A_65 = arith.constant 16 : i32
      %mul3A_66 = arith.muli %add3A_64, %mul3A_65 : i32
      %swap3A_67 = arith.index_cast %mul3A_66 : i32 to index
      %swap3A_68 = tpu.vector_load %arg5[%swap3A_67] {strides = array<i32>} : memref<65536xf32, #tpu.memory_space<vmem>>, vector<16xf32>,
      tpu.vector_store %arg5[%swap3A_67], %broadcast_in_dim3A_5 {strides = array<i32>} : memref<65536xf32, #tpu.memory_space<vmem>>, vector<16xf32>,
      %mul3A_69 = arith.constant 8 : i32
      %mul3A_70 = arith.muli %scan3A_21, %mul3A_69 : i32
      %add3A_71 = arith.constant 6 : i32
      %add3A_72 = arith.addi %mul3A_70, %add3A_71 : i32
      %mul3A_73 = arith.constant 16 : i32
      %mul3A_74 = arith.muli %add3A_72, %mul3A_73 : i32
      %swap3A_75 = arith.index_cast %mul3A_74 : i32 to index
      %swap3A_76 = tpu.vector_load %arg5[%swap3A_75] {strides = array<i32>} : memref<65536xf32, #tpu.memory_space<vmem>>, vector<16xf32>,
      tpu.vector_store %arg5[%swap3A_75], %broadcast_in_dim3A_5 {strides = array<i32>} : memref<65536xf32, #tpu.memory_space<vmem>>, vector<16xf32>,
      %mul3A_77 = arith.constant 8 : i32
      %mul3A_78 = arith.muli %scan3A_21, %mul3A_77 : i32
      %add3A_79 = arith.constant 7 : i32
      %add3A_80 = arith.addi %mul3A_78, %add3A_79 : i32
      %mul3A_81 = arith.constant 16 : i32
      %mul3A_82 = arith.muli %add3A_80, %mul3A_81 : i32
      %swap3A_83 = arith.index_cast %mul3A_82 : i32 to index
      %swap3A_84 = tpu.vector_load %arg5[%swap3A_83] {strides = array<i32>} : memref<65536xf32, #tpu.memory_space<vmem>>, vector<16xf32>,
      tpu.vector_store %arg5[%swap3A_83], %broadcast_in_dim3A_5 {strides = array<i32>} : memref<65536xf32, #tpu.memory_space<vmem>>, vector<16xf32>,
    }
    %scan3A_10 = arith.constant 512 : i32
    %broadcast_in_dim3A_11 = arith.constant 1.000000e+00 : f32
    %broadcast_in_dim3A_12 = vector.broadcast %broadcast_in_dim3A_11 : f32 to vector<16xf32>
    %scan3A_13 = arith.constant 0 : i32
    %scan3A_14 = arith.constant 0 : i32
    %scan3A_15 = arith.constant 64 : i32
    %scan3A_16 = arith.addi %scan3A_14, %scan3A_15 : i32
    %scan3A_17 = arith.constant 1 : i32
    scf.for %scan3A_21 = %scan3A_14 to %scan3A_16 step %scan3A_17  : i32 {
      %mul3A_22 = arith.constant 32 : i32
      %mul3A_23 = arith.muli %scan3A_21, %mul3A_22 : i32
      %add3A_24 = arith.constant 0 : i32
      %add3A_25 = arith.addi %mul3A_23, %add3A_24 : i32
      %get3A = arith.index_cast %add3A_25 : i32 to index
      %get3A_26 = tpu.vector_load %arg4[%get3A] {strides = array<i32>} : memref<2048xi32, #tpu.memory_space<vmem>>, vector<16xi32>,
      %mul3A_27 = arith.constant 1024 : i32
      %mul3A_28 = arith.muli %scan3A_21, %mul3A_27 : i32
      %add3A_29 = vector.broadcast %mul3A_28 : i32 to vector<16xi32>
      %add3A_30 = arith.addi %add3A_29, %get3A_26 : vector<16xi32>
      tpu.vector_store_idx %arg5[%add3A_30], %broadcast_in_dim3A_12 {add = true} : memref<65536xf32, #tpu.memory_space<vmem>>[vector<16xi32>], vector<16xf32>,
      %mul3A_31 = arith.constant 32 : i32
      %mul3A_32 = arith.muli %scan3A_21, %mul3A_31 : i32
      %add3A_33 = arith.constant 16 : i32
      %add3A_34 = arith.addi %mul3A_32, %add3A_33 : i32
      %get3A_35 = arith.index_cast %add3A_34 : i32 to index
      %get3A_36 = tpu.vector_load %arg4[%get3A_35] {strides = array<i32>} : memref<2048xi32, #tpu.memory_space<vmem>>, vector<16xi32>,
      %mul3A_37 = arith.constant 1024 : i32
      %mul3A_38 = arith.muli %scan3A_21, %mul3A_37 : i32
      %add3A_39 = vector.broadcast %mul3A_38 : i32 to vector<16xi32>
      %add3A_40 = arith.addi %add3A_39, %get3A_36 : vector<16xi32>
      tpu.vector_store_idx %arg5[%add3A_40], %broadcast_in_dim3A_12 {add = true} : memref<65536xf32, #tpu.memory_space<vmem>>[vector<16xi32>], vector<16xf32>,
    }
    %scan3A_18 = arith.constant 64 : i32
    %mul3A_19 = arith.constant 1024 : i32
    %mul3A_20 = arith.muli %mul3A_2, %mul3A_19 : i32
    "tpu.region"() ({
      %run_scoped3A = tpu.sem_alloc : memref<!tpu.dma_semaphore, #tpu.memory_space<semaphore_mem>>
      %dma_start3A = tpu.memref_slice %arg3[%mul3A_20] : memref<2097152xf32, #tpu.memory_space<hbm>> -> memref<65536xf32, #tpu.memory_space<hbm>>
      %dma_start3A_21 = tpu.memref_slice %arg3[%mul3A_20] : memref<2097152xf32, #tpu.memory_space<hbm>> -> memref<65536xf32, #tpu.memory_space<hbm>>
      tpu.enqueue_dma source(%arg5 : memref<65536xf32, #tpu.memory_space<vmem>>) target(%dma_start3A_21 : memref<65536xf32, #tpu.memory_space<hbm>>) target_semaphore(%run_scoped3A : memref<!tpu.dma_semaphore, #tpu.memory_space<semaphore_mem>>)
      %dma_wait3A = tpu.memref_slice %arg3[%mul3A_20] : memref<2097152xf32, #tpu.memory_space<hbm>> -> memref<65536xf32, #tpu.memory_space<hbm>>
      %dma_wait3A_22 = tpu.memref_slice %arg3[%mul3A_20] : memref<2097152xf32, #tpu.memory_space<hbm>> -> memref<65536xf32, #tpu.memory_space<hbm>>
      tpu.wait_dma2 semaphore(%run_scoped3A : memref<!tpu.dma_semaphore, #tpu.memory_space<semaphore_mem>>) src(%arg5 : memref<65536xf32, #tpu.memory_space<vmem>>) dst(%dma_wait3A_22 : memref<65536xf32, #tpu.memory_space<hbm>>)
      tpu.yield
    }) : () -> ()
    return
  }
}

</mosaic_0001>

<sc_bundles>
// kernel: _sc_count.3.cloned.1.call-start
scs
__scs_entry_jumppad:
0x0: {  	(pc) =	sbr.rel $0x88, $3  }
0x1: {  	(tag) =	ssettag $0x0;
	lr =	simm.s32 $0x1  }
0x2: {  	[smem:$0x3FA0] =	sst lr;
	_ =	strace $0xD0000000  }
0x3: {  	_ = 	snop  }
0x4: {  	_ = 	snop  }
0x5: {  	_ = 	snop  }
0x6: {  	_ = 	snop  }
0x7: {  	_ = 	snop  }
__scs_overlays_trampoline_lowered:
0x8: {  	[smem:$0x3FAF] =	sst s0  }
0x9: {  	[smem:$0x3FB0] =	sst s1  }
0xa: {  	[smem:$0x3FB1] =	sst s2  }
0xb: {  	[smem:$0x3FB2] =	sst s3  }
0xc: {  	[smem:$0x3FB3] =	sst s4  }
0xd: {  	[smem:$0x3FB4] =	sst s5  }
0xe: {  	[smem:$0x3FB5] =	sst s6  }
0xf: {  	[smem:$0x3FB6] =	sst s7  }
0x10: {  	[smem:$0x3FB7] =	sst s8  }
0x11: {  	[smem:$0x3FB8] =	sst s9;
	s0 =	simm.s32 @!p0 $0x0  }
0x12: {  	s1 =	sld [smem:$0x3F9E];
	s0 =	simm.s32 @p0 $0x1  }
0x13: {  	[smem:$0x3FB9] =	sst s0;
	s0 =	simm.s32 @!p1 $0x0  }
0x14: {  	s2 =	sld [smem:$0x3F9D];
	s0 =	simm.s32 @p1 $0x1  }
0x15: {  	[smem:$0x3FBA] =	sst s0;
	s0 =	simm.s32 @!p2 $0x0  }
0x16: {  	s3 =	sld [smem:$0x3FDB];
	s0 =	simm.s32 @p2 $0x1  }
0x17: {  	s4 =	simm.s32 $0x1BF5;
	[smem:$0x3FBC] =	sst s0  }
0x18: {  	s0 =	sld [smem:$0x3F9F];
	_ =	swait.ge [sflag:s4], $0x0  }
0x19: {  	s7 =	sld [smem:$0x3FA0]  }
0x1a: {  	s8 =	sadd.s32 $0xFFFFE003, lr  }
0x1b: {  	s9 =	sadd.s32 $0xFFFFFEF7, lr;
	s5 =	simm.s32 $0xFFFFFFFF;
	p2 =	slt.u32 s8, $0xFFFFF086  }
0x1c: {  	p1 =	slt.u32 s9, $0xF7A;
	s5 =	simm.s32 @!p2 $0x0  }
0x1d: {  	s5 =	simm.s32 @p1 $0x1;
	p0 =	seq.s32 s7, s2  }
0x1e: {  	s7 =	smul.u32 @!p0 $0xF7A, s2;
	p2 =	seq.s32 @!p0 s5, $0x0  }
0x1f: {  	s9 =	smul.u32 $0xF7A, s1;
	s8 =	simm.s32 @!p0 $0x1BF5;
	p2 =	por !p2, p0  }
0x20: {  	[sflag:s8] =	ssyncset.s32 @!p0 $0xFFFFF086;
	s6 =	sadd.s32 @!p0 s3, s7;
	s7 =	simm.s32 @!p0 $0x108  }
0x21: {  	s3 =	sadd.s32 s3, s9;
	s6 =	sadd.s32 @!p0 $0x88, s6;
	s7 =	simm.s32 @p2 $0x1082  }
0x22: {  	[simem:s7], [sflag:s8] =	dma.local @!p0 [hbm:s6], $0xF7A  }
0x23: {  	s9 =	sor.u32 $0xD0000000, s2;
	s6 =	simm.s32 $0x108;
	_ =	swait.ge @!p0 [sflag:s8], $0x0  }
0x24: {  	s3 =	sadd.s32 $0x88, s3;
	s6 =	simm.s32 @!p1 $0x1082;
	[sflag:s4] =	ssyncset.s32 $0xFFFFF086  }
0x25: {  	[simem:s6], [sflag:s4] =	dma.local [hbm:s3], $0xF7A  }
0x26: {  	[smem:$0x3FA0] =	sst s1;
	(tag) =	ssettag s2;
	_ =	strace s9  }
0x27: {  	s1 =	sld [smem:$0x3FB0]  }
0x28: {  	s2 =	sld [smem:$0x3FB1]  }
0x29: {  	s4 =	sld [smem:$0x3FB3]  }
0x2a: {  	p0 =	seq.s32 s5, $0x0;
	s5 =	sld [smem:$0x3FB4]  }
0x2b: {  	s6 =	sld [smem:$0x3FB5]  }
0x2c: {  	s7 =	sld [smem:$0x3FB6]  }
0x2d: {  	s3 =	simm.s32 $0x108;
	s8 =	sld [smem:$0x3FB7]  }
0x2e: {  	s3 =	simm.s32 @!p0 $0x1082;
	s9 =	sld [smem:$0x3FB8]  }
0x2f: {  	lr =	sadd.s32 s0, s3;
	s0 =	sld [smem:$0x3FAF]  }
0x30: {  	s3 =	sld [smem:$0x3FB2]  }
0x31: {  	[smem:$0x3FBB] =	sst s10  }
0x32: {  	s10 =	sld [smem:$0x3FB9];
	_ =	sdelay $0x3  }
0x33: {  	p0 =	seq.s32 s10, $0x1;
	s10 =	sld [smem:$0x3FBB];
	_ =	sdelay $0x3  }
0x34: {  	[smem:$0x3FBB] =	sst s10  }
0x35: {  	s10 =	sld [smem:$0x3FBA];
	_ =	sdelay $0x3  }
0x36: {  	p1 =	seq.s32 s10, $0x1;
	s10 =	sld [smem:$0x3FBB];
	_ =	sdelay $0x3  }
0x37: {  	[smem:$0x3FBB] =	sst s10  }
0x38: {  	s10 =	sld [smem:$0x3FBC]  }
0x39: {  	_ = 	snop;
	(pc) =	sbr.ind lr, $3  }
0x3a: {  	_ = 	snop  }
0x3b: {  	_ = 	snop  }
0x3c: {  	p2 =	seq.s32 s10, $0x1;
	s10 =	sld [smem:$0x3FBB]  }
0x3d: {  	_ =	shalt  }
0x3e: {  	_ =	shalt  }
0x3f: {  	_ =	shalt  }
0x40: {  	_ =	shalt  }
0x41: {  	_ =	shalt  }
0x42: {  	_ =	shalt  }
0x43: {  	_ =	shalt  }
0x44: {  	_ =	shalt  }
0x45: {  	_ =	shalt  }
0x46: {  	_ =	shalt  }
0x47: {  	_ =	shalt  }
0x48: {  	_ =	shalt  }
0x49: {  	_ =	shalt  }
0x4a: {  	_ =	shalt  }
0x4b: {  	_ =	shalt  }
0x4c: {  	_ =	shalt  }
0x4d: {  	_ =	shalt  }
0x4e: {  	_ =	shalt  }
0x4f: {  	_ =	shalt  }
0x50: {  	_ =	shalt  }
0x51: {  	_ =	shalt  }
0x52: {  	_ =	shalt  }
0x53: {  	_ =	shalt  }
0x54: {  	_ =	shalt  }
0x55: {  	_ =	shalt  }
0x56: {  	_ =	shalt  }
0x57: {  	_ =	shalt  }
0x58: {  	_ =	shalt  }
0x59: {  	_ =	shalt  }
0x5a: {  	_ =	shalt  }
0x5b: {  	_ =	shalt  }
0x5c: {  	_ =	shalt  }
0x5d: {  	_ =	shalt  }
0x5e: {  	_ =	shalt  }
0x5f: {  	_ =	shalt  }
0x60: {  	_ =	shalt  }
0x61: {  	_ =	shalt  }
0x62: {  	_ =	shalt  }
0x63: {  	_ =	shalt  }
0x64: {  	_ =	shalt  }
0x65: {  	_ =	shalt  }
0x66: {  	_ =	shalt  }
0x67: {  	_ =	shalt  }
0x68: {  	_ =	shalt  }
0x69: {  	_ =	shalt  }
0x6a: {  	_ =	shalt  }
0x6b: {  	_ =	shalt  }
0x6c: {  	_ =	shalt  }
0x6d: {  	_ =	shalt  }
0x6e: {  	_ =	shalt  }
0x6f: {  	_ =	shalt  }
0x70: {  	_ =	shalt  }
0x71: {  	_ =	shalt  }
0x72: {  	_ =	shalt  }
0x73: {  	_ =	shalt  }
0x74: {  	_ =	shalt  }
0x75: {  	_ =	shalt  }
0x76: {  	_ =	shalt  }
0x77: {  	_ =	shalt  }
0x78: {  	_ =	shalt  }
0x79: {  	_ =	shalt  }
0x7a: {  	_ =	shalt  }
0x7b: {  	_ =	shalt  }
0x7c: {  	_ =	shalt  }
0x7d: {  	_ =	shalt  }
0x7e: {  	_ =	shalt  }
0x7f: {  	_ =	shalt  }
0x80: {  	_ =	shalt  }
0x81: {  	_ =	shalt  }
0x82: {  	_ =	shalt  }
0x83: {  	_ =	shalt  }
0x84: {  	_ =	shalt  }
0x85: {  	_ =	shalt  }
0x86: {  	_ =	shalt  }
0x87: {  	_ =	shalt  }
.Lfunc_end0:
.L_simem_size_0:
called_computation_lowered:
.L_overlay_start_0:
0x88: {  	s2 =	sld [smem:$0x3FD9]  }
0x89: {  	s3 =	sld [smem:$0x3FFE];
	_ =	sdelay $0x1  }
0x8a: {  	s1 =	srdreg.scid  }
0x8b: {  	s0 =	sand.u32 $0x1, s1  }
0x8c: {  	s18 =	sshll.u32 s0, $0xA;
	s2 =	sadd.s32 s3, s2  }
0x8d: {  	s2 =	sadd.s32 s2, s18  }
0x8e: {  	[smem:$0x3FC7] =	sst s2  }
0x8f: {  	_ = 	snop  }
0x90: {  	s2 =	sld [smem:$0x3FC9]  }
0x91: {  	s19 =	sld [smem:$0x3FD0];
	(tm) =	ssettm $0x1  }
0x92: {  	s4 =	sld [smem:$0x3FFB];
	_ =	sdelay $0x3  }
0x93: {  	_ =	strace s4  }
0x94: {  	s4 =	sld [smem:$0x3FFC];
	_ =	sdelay $0x3  }
0x95: {  	_ =	strace s4  }
0x96: {  	s4 =	sld [smem:$0x3FFD];
	_ =	sdelay $0x3  }
0x97: {  	_ =	strace s4  }
0x98: {  	_ =	strace $0x8FFFFFFF  }
0x99: {  	s20 =	sld [smem:$0x3FDB];
	_ =	sdelay $0x1  }
0x9a: {  	s5 =	simm.s32 $_scs_section_size  }
0x9b: {  	s6 =	simm.s32 $_size__tile_overlayer_lowered;
	s7 =	simm.s32 $_tile_overlayer_lowered  }
0x9c: {  	s23 =	simm.s32 $0x1BFF;
	s22 =	sshll.u32 s7, $0x1;
	s4 =	sadd.s32 s5, s20  }
0x9d: {  	s8 =	simm.s32 $0x0;
	s21 =	sshll.u32 s6, $0x1;
	s6 =	sadd.s32 s22, s4  }
0x9e: {  	[timem:s8], [sflag:s23] =	dma.local [hbm:s6], s21  }
0x9f: {  	_ =	swait.ge [sflag:s23], s21  }
0xa0: {  	s5 =	ssub.s32 $0x0, s21;
	[sflag:s23] =	ssyncset.done $0x0  }
0xa1: {  	[sflag:s23] =	ssyncadd.s32 s5;
	_ =	sdelay $0x1  }
0xa2: {  	s24 =	simm.s32 $0x1B8B  }
0xa3: {  	_ =	swait.ge [sflag:s24], $0x1  }
0xa4: {  	[sflag:s24] =	ssyncset.done $0x0  }
0xa5: {  	s25 =	simm.s32 $0x1B8E;
	[sflag:s24] =	ssyncadd.s32 $0xFFFFFFFF  }
0xa6: {  	s26 =	simm.s32 $execute0_lowered;
	[smem:$0x3FD2] =	sst s25  }
0xa7: {  	s5 =	sshll.u32 s26, $0x1;
	_ =	strace $0x80000046;
	[dreg:$0x1] =	wrdreg $0xFFFFFFFF  }
0xa8: {  	s28 =	simm.s32 $_size_execute0_lowered;
	s4 =	sadd.s32 s4, s5;
	[dreg:$0x0] =	wrdreg $0x0  }
0xa9: {  	s5 =	sshll.u32 s28, $0x1;
	[dreg:$0x2] =	wrdreg s4  }
0xaa: {  	[dreg:$0x3] =	wrdreg s5  }
0xab: {  	[dreg:$0x4] =	wrdreg $0xC0  }
0xac: {  	_ =	task [dreg:s8], $0x5FFFF  }
0xad: {  	[dreg:$0x1] =	wrdreg $0xFFFFFFFF  }
0xae: {  	[dreg:$0x0] =	wrdreg $0x60  }
0xaf: {  	[dreg:$0x2] =	wrdreg s2  }
0xb0: {  	[dreg:$0x3] =	wrdreg s19  }
0xb1: {  	[dreg:$0x4] =	wrdreg $0x9  }
0xb2: {  	_ =	task.clear_ibuf [dreg:s8], $0x5FFFF;
	_ =	strace $0x90000046  }
0xb3: {  	s29 =	simm.s32 $0x9;
	_ =	strace $0x80000048  }
0xb4: {  	_ =	swait.ge [sflag:s29], $0x1  }
0xb5: {  	[sflag:s29] =	ssyncadd.s32 $0xFFFFFFFF  }
0xb6: {  	_ =	strace $0x90000048  }
0xb7: {  	_ =	sfence  }
0xb8: {  	s30 =	sld [smem:$0x0];
	_ =	sdelay $0x2  }
0xb9: {  	s31 =	sshll.u32 s1, $0xD;
	s1 =	sshrl.u32 s1, $0x2  }
0xba: {  	s3 =	sand.u32 $0x4000, s31;
	s1 =	sadd.s32 s1, s30  }
0xbb: {  	s0 =	sor.u32 s3, s0;
	s1 =	sshll.u32 s1, $0x11  }
0xbc: {  	s0 =	sor.u32 s1, s0  }
0xbd: {  	s0 =	sadd.s32 $0x8F2B, s0  }
0xbe: {  	[sflag:s0] =	ssyncadd.remote.s32 $0x1  }
0xbf: {  	_ =	sfence.sel $0xFFFF  }
0xc0: {  	[dreg:$0x0] =	wrdreg $0xFFFFFFFF;
	(pc) =	sbr.abs _section_cstart, $3  }
0xc1: {  	[dreg:$0x1] =	wrdreg $0xFFFFFFFF  }
0xc2: {  	_ =	task.clear_ibuf [dreg:s8], $0x2FFFF;
	_ =	strace $0x9FFFFFFF  }
0xc3: {  	(tm) =	ssettm $0x7FFFFFFF  }
tec
execute0_lowered:
.L_overlay_start_1:
0x0: {  	(tag) =	ssettag $0x1  }
0x1: {  	s3 =	rddreg [dreg:$0x0]  }
0x2: {  	s4 =	rddreg [dreg:$0x1]  }
0x3: {  	s0 =	rddreg [dreg:$0x2];
	s5 =	srdreg.scid  }
0x4: {  	s2 =	simm.s32 $0x0;
	s1 =	stileid.u32;
	s5 =	sand.u32 $0x1, s5  }
0x5: {  	[smem:$0x7FF] =	sst s2;
	s7 =	sshll.u32 s1, $0x1;
	s6 =	ssub.s32 $0x2, s5  }
0x6: {  	_ =	strace $0x80000047;
	s5 =	sor.u32 s5, s7;
	s8 =	sshrl.u32 s6, $0x1  }
0x7: {  	s7 =	sshll.u32 s5, $0x8;
	s5 =	sshll.u32 s5, $0xD;
	s6 =	ssub.s32 s6, s8  }
0x8: {  	s3 =	sadd.s32 s3, s7;
	s4 =	sadd.s32 s4, s5;
	s7 =	simm.s32 $0x800  }
0x9: {  	v0 =	vimm.f32 $0.0e+00;
	v1 =	vimm.f32 $1.000000000e+00;
	s8 =	simm.s32 $0x0;
	s5 =	smax.u32 s6, $0x1;
	s6 =	simm.s32 $0x1  }
.LBB2_1:
0xa: {  	[tilespmem:s2], [sflag:$0x1] =	stream.linear.gather [hbm4b:s3+s2], $0x800, $0x38;
	[tilespmem:$0x10800] =	vst v63  }
0xb: {  	_ =	swait.ge [sflag:s6], $0x800  }
0xc: {  	[sflag:s6] =	ssyncset.done $0x0  }
0xd: {  	s9 =	simm.s32 $0x0;
	s10 =	simm.s32 $0x200;
	[sflag:s6] =	ssyncadd.s32 $0xFFFFF800  }
.LBB2_2:
0xe: {  	p0 =	sne.s32 s10, $0x3FE00;
	[tilespmem:s9+$0x870] =	vst v0  }
0xf: {  	[tilespmem:s9+$0x800] =	vst v0  }
0x10: {  	[tilespmem:s9+$0x810] =	vst v0  }
.Ltmp0:
0x11: {  	[tilespmem:s9+$0x820] =	vst v0;
	(pc) =	sbr.rel @p0 .LBB2_2-.Ltmp0, $4  }
0x12: {  	[tilespmem:s9+$0x830] =	vst v0  }
0x13: {  	[tilespmem:s9+$0x840] =	vst v0  }
0x14: {  	[tilespmem:s9+$0x850] =	vst v0  }
0x15: {  	[tilespmem:s9+$0x860] =	vst v0;
	s9 =	sshra.s32 s10, $0x2;
	s10 =	sadd.s32 $0x200, s10  }
0x16: {  	[tilespmem:s9+$0x870] =	vst v0  }
0x17: {  	[tilespmem:s9+$0x800] =	vst v0  }
0x18: {  	[tilespmem:s9+$0x810] =	vst v0  }
0x19: {  	[tilespmem:s9+$0x820] =	vst v0  }
0x1a: {  	[tilespmem:s9+$0x830] =	vst v0  }
0x1b: {  	[tilespmem:s9+$0x840] =	vst v0  }
0x1c: {  	[tilespmem:s9+$0x850] =	vst v0  }
0x1d: {  	[tilespmem:s9+$0x860] =	vst v0;
	s9 =	simm.s32 $0x0;
	s10 =	simm.s32 $0x10  }
.LBB2_4:
0x1e: {  	v2 =	vld [tilespmem:s10+$0xFFFFFFF0];
	_ =	sdelay $0x4  }
0x1f: {  	v2 =	vadd.s32 s9, v2;
	_ =	sdelay $0x4  }
0x20: {  	[tilespmem:v2+s7+$0x0] =	vst.idx.add.f32.msk $0xffff, v1  }
0x21: {  	v2 =	vld [tilespmem:s10+$0x0];
	_ =	sdelay $0x4  }
0x22: {  	p0 =	sne.s32 s9, $0xFC00;
	v2 =	vadd.s32 s9, v2  }
.Ltmp1:
0x23: {  	_ = 	snop;
	(pc) =	sbr.rel @p0 .LBB2_4-.Ltmp1, $2  }
0x24: {  	_ =	sdelay $0x2  }
0x25: {  	s10 =	sadd.s32 $0x20, s10;
	s9 =	sadd.s32 $0x400, s9;
	[tilespmem:v2+s7+$0x0] =	vst.idx.add.f32.msk $0xffff, v1  }
0x26: {  	s8 =	sadd.s32 $0x1, s8  }
0x27: {  	p0 =	sne.s32 s8, s5  }
.Ltmp2:
0x28: {  	_ = 	snop;
	(pc) =	sbr.rel @p0 .LBB2_1-.Ltmp2, $4  }
0x29: {  	[hbm4b:s4+s2] =	stream.linear.scatter [tilespmem:s7], [sflag:$0x1], $0x10000, $0x38;
	[tilespmem:$0x10800] =	vst v63  }
0x2a: {  	_ =	swait.ge [sflag:s6], $0x10000  }
0x2b: {  	[sflag:s6] =	ssyncset.done $0x0  }
0x2c: {  	[sflag:s6] =	ssyncadd.s32 $0xFFFF0000  }
0x2d: {  	_ =	sfence.sel $0x180000  }
0x2e: {  	[bflag:$0x0] =	sbarrier.arrive $0xFFFF  }
0x2f: {  	p0 =	sne.s32 s1, $0x0;
	_ =	strace $0x90000047  }
0x30: {  	s0 =	sadd.s32 @!p0 $0x100000, s0;
	[bflag:$0x2] =	sbarrier.arrive $0xFFFF  }
0x31: {  	[sflag:s0] =	ssyncadd.tile.s32 @!p0 $0x1;
	_ =	shalt  }
.Lfunc_end2:
_tile_overlayer_lowered:
.L_overlay_start_2:
0x32: {  	(tag) =	ssettag $0x2  }
0x33: {  	s0 =	rddreg [dreg:$0x0];
	s2 =	stileid.u32  }
0x34: {  	s1 =	rddreg [dreg:$0x1];
	p0 =	sne.s32 s2, $0x0  }
0x35: {  	s3 =	rddreg [dreg:$0x2];
	[bflag:$0x3] =	sbarrier.arrive $0xFFFF;
	s2 =	simm.s32 @!p0 $0x1C01  }
0x36: {  	[timem:s3], [sflag:s2] =	dma.local @!p0 [hbm:s0], s1  }
0x37: {  	s0 =	simm.s32 @!p0 $0x1  }
0x38: {  	_ =	swait.ge @!p0 [sflag:s0], s1  }
0x39: {  	s1 =	ssub.s32 @!p0 $0x0, s1;
	[sflag:s0] =	ssyncset.done @!p0 $0x0  }
0x3a: {  	[sflag:s0] =	ssyncadd.s32 @!p0 s1  }
0x3b: {  	[bflag:$0x3] =	sbarrier.arrive $0xFFFF  }
0x3c: {  	_ =	shalt  }

</sc_bundles>
